<compile_context>
chip_gen: v7x
topology: tpu7x:2x2x1
jax: 0.10.2.dev20260603
libtpu: 0.0.44.dev20260713+nightly
codegen_flags: <defaults>
</compile_context>

<pallas_src>
import functools

import jax
import jax.numpy as jnp
from jax import lax
from jax.experimental import pallas as pl
from jax.experimental.pallas import tpu as pltpu
from jax.experimental.pallas import tpu_sc as plsc

D_MODEL = 1024
PAD_ID = 0
SCALE = 32.0

NC = 2
NS = 16
NW = NC * NS
CHUNK = 32


def _prep_table(table):

    def body(t_ref, o_ref):
        rows = lax.broadcasted_iota(jnp.int32, t_ref.shape, 0)
        o_ref[...] = jnp.where(rows == PAD_ID, 0.0, t_ref[...] * SCALE)

    return pl.pallas_call(
        body,
        out_shape=jax.ShapeDtypeStruct(table.shape, table.dtype),
    )(table)


def _make_gather(V, D, nbatch, seq):
    B = nbatch * seq
    assert B % (8 * NW) == 0
    b_per_w = B // NW
    assert b_per_w % (2 * CHUNK) == 0 and seq % b_per_w == 0
    per_row = seq // b_per_w
    mesh = plsc.VectorSubcoreMesh(core_axis_name="c", subcore_axis_name="s")

    @functools.partial(
        pl.kernel,
        mesh=mesh,
        out_type=jax.ShapeDtypeStruct((B, D), jnp.float32),
        scratch_types=[
            pltpu.VMEM((b_per_w,), jnp.int32),
            pltpu.VMEM((CHUNK, D), jnp.float32),
            pltpu.VMEM((CHUNK, D), jnp.float32),
            pltpu.SemaphoreType.DMA,
            pltpu.SemaphoreType.DMA,
        ],
    )
    def gather_kernel(table_hbm, idx_hbm, out_hbm, idx_v, rows0, rows1, sem0, sem1):
        wid = lax.axis_index("s") * NC + lax.axis_index("c")
        base = wid * b_per_w
        pltpu.sync_copy(
            idx_hbm.at[wid // per_row, pl.ds((wid % per_row) * b_per_w, b_per_w)],
            idx_v,
        )

        pltpu.async_copy(table_hbm.at[idx_v.at[pl.ds(0, CHUNK)]], rows0, sem0)

        @pl.loop(0, b_per_w, step=2 * CHUNK)
        def _(c):
            pltpu.async_copy(
                table_hbm.at[idx_v.at[pl.ds(c + CHUNK, CHUNK)]], rows1, sem1
            )
            pltpu.make_async_copy(
                table_hbm.at[idx_v.at[pl.ds(c, CHUNK)]], rows0, sem0
            ).wait()
            pltpu.sync_copy(rows0, out_hbm.at[pl.ds(base + c, CHUNK)])

            @pl.when(c + 2 * CHUNK < b_per_w)
            def _():
                pltpu.async_copy(
                    table_hbm.at[idx_v.at[pl.ds(c + 2 * CHUNK, CHUNK)]], rows0, sem0
                )

            pltpu.make_async_copy(
                table_hbm.at[idx_v.at[pl.ds(c + CHUNK, CHUNK)]], rows1, sem1
            ).wait()
            pltpu.sync_copy(rows1, out_hbm.at[pl.ds(base + c + CHUNK, CHUNK)])

    return gather_kernel


def kernel(input_ids, table):
    nbatch, seq = input_ids.shape
    V, D = table.shape
    scaled = _prep_table(table)
    out = _make_gather(V, D, nbatch, seq)(scaled, input_ids)
    return out.reshape(input_ids.shape + (D,))

# --- scband reference (transcript-rebuilt; emitter-appended) ---
"""Pipeline reference for scband-midiembedding-33200097198182 (READ-ONLY COPY).

The authoritative reference and input builder live on the scoring server;
editing this copy changes nothing except your own understanding.
"""

import jax, jax.numpy as jnp
import numpy as np
import math

VOCAB = 1000
D_MODEL = 1024
PAD_ID = 0

def setup_inputs(seed: int = 0) -> dict:
    key = jax.random.key(seed)
    k1, k2 = jax.random.split(key)
    input_ids = jax.random.randint(k1, (4, 4096), 0, VOCAB, dtype=jnp.int32)
    table = jax.random.normal(k2, (VOCAB, D_MODEL), dtype=jnp.float32)
    return {"input_ids": input_ids, "table": table}

def reference(input_ids, table):
    # padding_idx semantics: row PAD_ID is forced to zero
    mask = (jnp.arange(table.shape[0]) != PAD_ID).astype(table.dtype)[:, None]
    t = table * mask
    scale = jnp.asarray(math.sqrt(D_MODEL), dtype=table.dtype)
    emb = jnp.take(t, input_ids, axis=0) * scale
    # dropout is identity in eval mode
    return emb

if __name__ == "__main__":
    import jax
    _d = setup_inputs()
    print(jax.jit(kernel)(*tuple(_d.values())))

</pallas_src>

<mosaic_0001>
#map = affine_map<(d0, d1) -> (0, 0)>
module attributes {stable_mosaic.version = 14 : i64} {
  func.func @gather_kernel(%arg0: i32, %arg1: i32, %arg2: memref<1000x1024xf32, #tpu.memory_space<hbm>>, %arg3: memref<4x4096xi32, #tpu.memory_space<hbm>>, %arg4: memref<16384x1024xf32, #tpu.memory_space<hbm>>, %arg5: memref<512xi32, #tpu.memory_space<vmem>>, %arg6: memref<32x1024xf32, #tpu.memory_space<vmem>>, %arg7: memref<32x1024xf32, #tpu.memory_space<vmem>>, %arg8: memref<!tpu.dma_semaphore, #tpu.memory_space<semaphore_mem>>, %arg9: memref<!tpu.dma_semaphore, #tpu.memory_space<semaphore_mem>>) attributes {dimension_semantics = [#tpu.dimension_semantics<core_parallel>, #tpu.dimension_semantics<subcore_parallel>], iteration_bounds = array<i64: 2, 16>, scalar_prefetch = 0 : i64, scratch_operands = 5 : i64, tpu.core_type = #tpu.core_type<sc_vector_subcore>, window_params = [{transform_indices = #map}, {transform_indices = #map}, {transform_indices = #map}]} {
    %mul3A = arith.constant 2 : i32
    %mul3A_0 = arith.muli %arg1, %mul3A : i32
    %add3A = arith.addi %mul3A_0, %arg0 : i32
    %mul3A_1 = arith.constant 512 : i32
    %mul3A_2 = arith.muli %add3A, %mul3A_1 : i32
    %jit3A = arith.constant 8 : i32
    %div3A = arith.divsi %add3A, %jit3A : i32
    %sign3A = arith.constant 0 : i32
    %sign3A_3 = arith.cmpi sgt, %add3A, %sign3A : i32
    %sign3A_4 = arith.extui %sign3A_3 : i1 to i32
    %sign3A_5 = arith.constant 0 : i32
    %sign3A_6 = arith.cmpi slt, %add3A, %sign3A_5 : i32
    %sign3A_7 = arith.extui %sign3A_6 : i1 to i32
    %sign3A_8 = arith.subi %sign3A_4, %sign3A_7 : i32
    %sign3A_9 = arith.constant 0 : i32
    %sign3A_10 = arith.cmpi sgt, %jit3A, %sign3A_9 : i32
    %sign3A_11 = arith.extui %sign3A_10 : i1 to i32
    %sign3A_12 = arith.constant 0 : i32
    %sign3A_13 = arith.cmpi slt, %jit3A, %sign3A_12 : i32
    %sign3A_14 = arith.extui %sign3A_13 : i1 to i32
    %sign3A_15 = arith.subi %sign3A_11, %sign3A_14 : i32
    %ne3A = arith.cmpi ne, %sign3A_8, %sign3A_15 : i32
    %rem3A = arith.remsi %add3A, %jit3A : i32
    %ne3A_16 = arith.constant 0 : i32
    %ne3A_17 = arith.cmpi ne, %rem3A, %ne3A_16 : i32
    %and3A = arith.andi %ne3A, %ne3A_17 : i1
    %sub3A = arith.constant 1 : i32
    %sub3A_18 = arith.subi %div3A, %sub3A : i32
    %select_n3A = arith.select %and3A, %sub3A_18, %div3A : i32
    %jit3A_19 = arith.constant 8 : i32
    %eq3A = arith.constant 0 : i32
    %eq3A_20 = arith.cmpi eq, %jit3A_19, %eq3A : i32
    %jit3A_21 = arith.constant 1 : i32
    %select_n3A_22 = arith.select %eq3A_20, %jit3A_21, %jit3A_19 : i32
    %rem3A_23 = arith.remsi %add3A, %select_n3A_22 : i32
    %ne3A_24 = arith.constant 0 : i32
    %ne3A_25 = arith.cmpi ne, %rem3A_23, %ne3A_24 : i32
    %lt3A = arith.constant 0 : i32
    %lt3A_26 = arith.cmpi slt, %rem3A_23, %lt3A : i32
    %lt3A_27 = arith.constant 0 : i32
    %lt3A_28 = arith.cmpi slt, %select_n3A_22, %lt3A_27 : i32
    %ne3A_29 = arith.xori %lt3A_26, %lt3A_28 : i1
    %and3A_30 = arith.andi %ne3A_29, %ne3A_25 : i1
    %add3A_31 = arith.addi %rem3A_23, %select_n3A_22 : i32
    %select_n3A_32 = arith.select %and3A_30, %add3A_31, %rem3A_23 : i32
    %mul3A_33 = arith.constant 512 : i32
    %mul3A_34 = arith.muli %select_n3A_32, %mul3A_33 : i32
    "tpu.region"() ({
      %run_scoped3A = tpu.sem_alloc : memref<!tpu.dma_semaphore, #tpu.memory_space<semaphore_mem>>
      %dma_start3A_43 = tpu.memref_slice %arg3[%select_n3A, %mul3A_34] : memref<4x4096xi32, #tpu.memory_space<hbm>> -> memref<1x512xi32, #tpu.memory_space<hbm>>
      %dma_start3A_44 = tpu.memref_squeeze %dma_start3A_43 : memref<1x512xi32, #tpu.memory_space<hbm>> -> memref<512xi32, #tpu.memory_space<hbm>>
      %dma_start3A_45 = tpu.memref_slice %arg3[%select_n3A, %mul3A_34] : memref<4x4096xi32, #tpu.memory_space<hbm>> -> memref<1x512xi32, #tpu.memory_space<hbm>>
      %dma_start3A_46 = tpu.memref_squeeze %dma_start3A_45 : memref<1x512xi32, #tpu.memory_space<hbm>> -> memref<512xi32, #tpu.memory_space<hbm>>
      tpu.enqueue_dma source(%dma_start3A_46 : memref<512xi32, #tpu.memory_space<hbm>>) target(%arg5 : memref<512xi32, #tpu.memory_space<vmem>>) target_semaphore(%run_scoped3A : memref<!tpu.dma_semaphore, #tpu.memory_space<semaphore_mem>>)
      %dma_wait3A = tpu.memref_slice %arg3[%select_n3A, %mul3A_34] : memref<4x4096xi32, #tpu.memory_space<hbm>> -> memref<1x512xi32, #tpu.memory_space<hbm>>
      %dma_wait3A_47 = tpu.memref_squeeze %dma_wait3A : memref<1x512xi32, #tpu.memory_space<hbm>> -> memref<512xi32, #tpu.memory_space<hbm>>
      %dma_wait3A_48 = tpu.memref_slice %arg3[%select_n3A, %mul3A_34] : memref<4x4096xi32, #tpu.memory_space<hbm>> -> memref<1x512xi32, #tpu.memory_space<hbm>>
      %dma_wait3A_49 = tpu.memref_squeeze %dma_wait3A_48 : memref<1x512xi32, #tpu.memory_space<hbm>> -> memref<512xi32, #tpu.memory_space<hbm>>
      tpu.wait_dma2 semaphore(%run_scoped3A : memref<!tpu.dma_semaphore, #tpu.memory_space<semaphore_mem>>) src(%dma_wait3A_49 : memref<512xi32, #tpu.memory_space<hbm>>) dst(%arg5 : memref<512xi32, #tpu.memory_space<vmem>>)
      tpu.yield
    }) : () -> ()
    %dma_start3A = arith.constant 0 : i32
    %dma_start3A_35 = tpu.memref_slice %arg5[%dma_start3A] : memref<512xi32, #tpu.memory_space<vmem>> -> memref<32xi32, #tpu.memory_space<vmem>>
    %dma_start3A_36 = arith.constant 0 : i32
    %dma_start3A_37 = arith.constant 0 : i32
    %dma_start3A_38 = tpu.memref_slice %arg2[%dma_start3A_36, %dma_start3A_37] : memref<1000x1024xf32, #tpu.memory_space<hbm>> -> memref<1000x1024xf32, #tpu.memory_space<hbm>>
    tpu.enqueue_indirect_dma source(%dma_start3A_38 : memref<1000x1024xf32, #tpu.memory_space<hbm>>) target(%arg6 : memref<32x1024xf32, #tpu.memory_space<vmem>>) offsets(%dma_start3A_35 : memref<32xi32, #tpu.memory_space<vmem>>) semaphore(%arg8 : memref<!tpu.dma_semaphore, #tpu.memory_space<semaphore_mem>>)
    %scan3A = arith.constant 0 : i32
    %scan3A_39 = arith.constant 8 : i32
    %scan3A_40 = arith.addi %scan3A, %scan3A_39 : i32
    %scan3A_41 = arith.constant 1 : i32
    scf.for %scan3A_43 = %scan3A to %scan3A_40 step %scan3A_41  : i32 {
      %mul3A_44 = arith.constant 64 : i32
      %mul3A_45 = arith.muli %scan3A_43, %mul3A_44 : i32
      %add3A_46 = arith.constant 0 : i32
      %add3A_47 = arith.addi %add3A_46, %mul3A_45 : i32
      %add3A_48 = arith.constant 32 : i32
      %add3A_49 = arith.addi %add3A_47, %add3A_48 : i32
      %dma_start3A_50 = tpu.memref_slice %arg5[%add3A_49] : memref<512xi32, #tpu.memory_space<vmem>> -> memref<32xi32, #tpu.memory_space<vmem>>
      %dma_start3A_51 = arith.constant 0 : i32
      %dma_start3A_52 = arith.constant 0 : i32
      %dma_start3A_53 = tpu.memref_slice %arg2[%dma_start3A_51, %dma_start3A_52] : memref<1000x1024xf32, #tpu.memory_space<hbm>> -> memref<1000x1024xf32, #tpu.memory_space<hbm>>
      tpu.enqueue_indirect_dma source(%dma_start3A_53 : memref<1000x1024xf32, #tpu.memory_space<hbm>>) target(%arg7 : memref<32x1024xf32, #tpu.memory_space<vmem>>) offsets(%dma_start3A_50 : memref<32xi32, #tpu.memory_space<vmem>>) semaphore(%arg9 : memref<!tpu.dma_semaphore, #tpu.memory_space<semaphore_mem>>)
      %dma_wait3A = tpu.memref_slice %arg5[%add3A_47] : memref<512xi32, #tpu.memory_space<vmem>> -> memref<32xi32, #tpu.memory_space<vmem>>
      %dma_wait3A_54 = arith.constant 0 : i32
      %dma_wait3A_55 = arith.constant 0 : i32
      %dma_wait3A_56 = tpu.memref_slice %arg2[%dma_wait3A_54, %dma_wait3A_55] : memref<1000x1024xf32, #tpu.memory_space<hbm>> -> memref<1000x1024xf32, #tpu.memory_space<hbm>>
      tpu.wait_indirect_dma semaphore(%arg8 : memref<!tpu.dma_semaphore, #tpu.memory_space<semaphore_mem>>) src(%dma_wait3A_56 : memref<1000x1024xf32, #tpu.memory_space<hbm>>) dst(%arg6 : memref<32x1024xf32, #tpu.memory_space<vmem>>)
      %add3A_57 = arith.addi %mul3A_2, %add3A_47 : i32
      "tpu.region"() ({
        %run_scoped3A = tpu.sem_alloc : memref<!tpu.dma_semaphore, #tpu.memory_space<semaphore_mem>>
        %dma_start3A_72 = arith.constant 0 : i32
        %dma_start3A_73 = tpu.memref_slice %arg4[%add3A_57, %dma_start3A_72] : memref<16384x1024xf32, #tpu.memory_space<hbm>> -> memref<32x1024xf32, #tpu.memory_space<hbm>>
        %dma_start3A_74 = arith.constant 0 : i32
        %dma_start3A_75 = tpu.memref_slice %arg4[%add3A_57, %dma_start3A_74] : memref<16384x1024xf32, #tpu.memory_space<hbm>> -> memref<32x1024xf32, #tpu.memory_space<hbm>>
        tpu.enqueue_dma source(%arg6 : memref<32x1024xf32, #tpu.memory_space<vmem>>) target(%dma_start3A_75 : memref<32x1024xf32, #tpu.memory_space<hbm>>) target_semaphore(%run_scoped3A : memref<!tpu.dma_semaphore, #tpu.memory_space<semaphore_mem>>)
        %dma_wait3A_76 = arith.constant 0 : i32
        %dma_wait3A_77 = tpu.memref_slice %arg4[%add3A_57, %dma_wait3A_76] : memref<16384x1024xf32, #tpu.memory_space<hbm>> -> memref<32x1024xf32, #tpu.memory_space<hbm>>
        %dma_wait3A_78 = arith.constant 0 : i32
        %dma_wait3A_79 = tpu.memref_slice %arg4[%add3A_57, %dma_wait3A_78] : memref<16384x1024xf32, #tpu.memory_space<hbm>> -> memref<32x1024xf32, #tpu.memory_space<hbm>>
        tpu.wait_dma2 semaphore(%run_scoped3A : memref<!tpu.dma_semaphore, #tpu.memory_space<semaphore_mem>>) src(%arg6 : memref<32x1024xf32, #tpu.memory_space<vmem>>) dst(%dma_wait3A_79 : memref<32x1024xf32, #tpu.memory_space<hbm>>)
        tpu.yield
      }) : () -> ()
      %add3A_58 = arith.constant 64 : i32
      %add3A_59 = arith.addi %add3A_47, %add3A_58 : i32
      %lt3A_60 = arith.constant 512 : i32
      %lt3A_61 = arith.cmpi slt, %add3A_59, %lt3A_60 : i32
      %convert_element_type3A = arith.extui %lt3A_61 : i1 to i32
      %cond3A = arith.constant 0 : i32
      %cond3A_62 = arith.cmpi ne, %convert_element_type3A, %cond3A : i32
      scf.if %cond3A_62 {
        %add3A_72 = arith.constant 64 : i32
        %add3A_73 = arith.addi %add3A_47, %add3A_72 : i32
        %dma_start3A_74 = tpu.memref_slice %arg5[%add3A_73] : memref<512xi32, #tpu.memory_space<vmem>> -> memref<32xi32, #tpu.memory_space<vmem>>
        %dma_start3A_75 = arith.constant 0 : i32
        %dma_start3A_76 = arith.constant 0 : i32
        %dma_start3A_77 = tpu.memref_slice %arg2[%dma_start3A_75, %dma_start3A_76] : memref<1000x1024xf32, #tpu.memory_space<hbm>> -> memref<1000x1024xf32, #tpu.memory_space<hbm>>
        tpu.enqueue_indirect_dma source(%dma_start3A_77 : memref<1000x1024xf32, #tpu.memory_space<hbm>>) target(%arg6 : memref<32x1024xf32, #tpu.memory_space<vmem>>) offsets(%dma_start3A_74 : memref<32xi32, #tpu.memory_space<vmem>>) semaphore(%arg8 : memref<!tpu.dma_semaphore, #tpu.memory_space<semaphore_mem>>)
      } else {
      }
      %add3A_63 = arith.constant 32 : i32
      %add3A_64 = arith.addi %add3A_47, %add3A_63 : i32
      %dma_wait3A_65 = tpu.memref_slice %arg5[%add3A_64] : memref<512xi32, #tpu.memory_space<vmem>> -> memref<32xi32, #tpu.memory_space<vmem>>
      %dma_wait3A_66 = arith.constant 0 : i32
      %dma_wait3A_67 = arith.constant 0 : i32
      %dma_wait3A_68 = tpu.memref_slice %arg2[%dma_wait3A_66, %dma_wait3A_67] : memref<1000x1024xf32, #tpu.memory_space<hbm>> -> memref<1000x1024xf32, #tpu.memory_space<hbm>>
      tpu.wait_indirect_dma semaphore(%arg9 : memref<!tpu.dma_semaphore, #tpu.memory_space<semaphore_mem>>) src(%dma_wait3A_68 : memref<1000x1024xf32, #tpu.memory_space<hbm>>) dst(%arg7 : memref<32x1024xf32, #tpu.memory_space<vmem>>)
      %add3A_69 = arith.addi %mul3A_2, %add3A_47 : i32
      %add3A_70 = arith.constant 32 : i32
      %add3A_71 = arith.addi %add3A_69, %add3A_70 : i32
      "tpu.region"() ({
        %run_scoped3A = tpu.sem_alloc : memref<!tpu.dma_semaphore, #tpu.memory_space<semaphore_mem>>
        %dma_start3A_72 = arith.constant 0 : i32
        %dma_start3A_73 = tpu.memref_slice %arg4[%add3A_71, %dma_start3A_72] : memref<16384x1024xf32, #tpu.memory_space<hbm>> -> memref<32x1024xf32, #tpu.memory_space<hbm>>
        %dma_start3A_74 = arith.constant 0 : i32
        %dma_start3A_75 = tpu.memref_slice %arg4[%add3A_71, %dma_start3A_74] : memref<16384x1024xf32, #tpu.memory_space<hbm>> -> memref<32x1024xf32, #tpu.memory_space<hbm>>
        tpu.enqueue_dma source(%arg7 : memref<32x1024xf32, #tpu.memory_space<vmem>>) target(%dma_start3A_75 : memref<32x1024xf32, #tpu.memory_space<hbm>>) target_semaphore(%run_scoped3A : memref<!tpu.dma_semaphore, #tpu.memory_space<semaphore_mem>>)
        %dma_wait3A_76 = arith.constant 0 : i32
        %dma_wait3A_77 = tpu.memref_slice %arg4[%add3A_71, %dma_wait3A_76] : memref<16384x1024xf32, #tpu.memory_space<hbm>> -> memref<32x1024xf32, #tpu.memory_space<hbm>>
        %dma_wait3A_78 = arith.constant 0 : i32
        %dma_wait3A_79 = tpu.memref_slice %arg4[%add3A_71, %dma_wait3A_78] : memref<16384x1024xf32, #tpu.memory_space<hbm>> -> memref<32x1024xf32, #tpu.memory_space<hbm>>
        tpu.wait_dma2 semaphore(%run_scoped3A : memref<!tpu.dma_semaphore, #tpu.memory_space<semaphore_mem>>) src(%arg7 : memref<32x1024xf32, #tpu.memory_space<vmem>>) dst(%dma_wait3A_79 : memref<32x1024xf32, #tpu.memory_space<hbm>>)
        tpu.yield
      }) : () -> ()
    }
    %scan3A_42 = arith.constant 8 : i32
    return
  }
}

module attributes {stable_mosaic.version = 14 : i64} {
  func.func @body(%arg0: memref<1000x1024xf32, #tpu.memory_space<vmem>>, %arg1: memref<1000x1024xf32, #tpu.memory_space<vmem>>) attributes {dimension_semantics = [], scalar_prefetch = 0 : i64, scratch_operands = 0 : i64, tpu.core_type = #tpu.core_type<tc>} {
    %iota3A = tpu.iota {dimensions = array<i32: 0>} : vector<1000x1024xi32>
    %eq3A = arith.constant 0 : i32
    %eq3A_0 = vector.broadcast %eq3A : i32 to vector<1000x1024xi32>
    %eq3A_1 = arith.cmpi eq, %iota3A, %eq3A_0 : vector<1000x1024xi32>
    %get3A = arith.constant 0 : index
    %get3A_2 = arith.constant 0 : index
    %get3A_3 = vector.load %arg0[%get3A, %get3A_2] : memref<1000x1024xf32, #tpu.memory_space<vmem>>, vector<1000x1024xf32>
    %mul3A = arith.constant 3.200000e+01 : f32
    %mul3A_4 = vector.broadcast %mul3A : f32 to vector<1000x1024xf32>
    %mul3A_5 = arith.mulf %get3A_3, %mul3A_4 : vector<1000x1024xf32>
    %jit3A = arith.constant 0.000000e+00 : f32
    %broadcast_in_dim3A = vector.broadcast %jit3A : f32 to vector<1000x1024xf32>
    %select_n3A = arith.select %eq3A_1, %broadcast_in_dim3A, %mul3A_5 : vector<1000x1024xi1>, vector<1000x1024xf32>
    %swap3A = arith.constant 0 : index
    %swap3A_6 = arith.constant 0 : index
    %swap3A_7 = vector.load %arg1[%swap3A, %swap3A_6] : memref<1000x1024xf32, #tpu.memory_space<vmem>>, vector<1000x1024xf32>
    tpu.vector_store %arg1[%swap3A, %swap3A_6], %select_n3A {strides = array<i32>} : memref<1000x1024xf32, #tpu.memory_space<vmem>>, vector<1000x1024xf32>,
    return
  }
}

</mosaic_0001>

<sc_bundles>
// kernel: kernel.4.cloned.1.call-start
scs
__scs_entry_jumppad:
0x0: {  	(pc) =	sbr.rel $0x88, $3  }
0x1: {  	(tag) =	ssettag $0x0;
	lr =	simm.s32 $0x1  }
0x2: {  	[smem:$0x3F9F] =	sst lr;
	_ =	strace $0xD0000000  }
0x3: {  	_ = 	snop  }
0x4: {  	_ = 	snop  }
0x5: {  	_ = 	snop  }
0x6: {  	_ = 	snop  }
0x7: {  	_ = 	snop  }
__scs_overlays_trampoline_lowered:
0x8: {  	[smem:$0x3FAE] =	sst s0  }
0x9: {  	[smem:$0x3FAF] =	sst s1  }
0xa: {  	[smem:$0x3FB0] =	sst s2  }
0xb: {  	[smem:$0x3FB1] =	sst s3  }
0xc: {  	[smem:$0x3FB2] =	sst s4  }
0xd: {  	[smem:$0x3FB3] =	sst s5  }
0xe: {  	[smem:$0x3FB4] =	sst s6  }
0xf: {  	[smem:$0x3FB5] =	sst s7  }
0x10: {  	[smem:$0x3FB6] =	sst s8  }
0x11: {  	[smem:$0x3FB7] =	sst s9;
	s0 =	simm.s32 @!p0 $0x0  }
0x12: {  	s1 =	sld [smem:$0x3F9D];
	s0 =	simm.s32 @p0 $0x1  }
0x13: {  	[smem:$0x3FB8] =	sst s0;
	s0 =	simm.s32 @!p1 $0x0  }
0x14: {  	s2 =	sld [smem:$0x3F9C];
	s0 =	simm.s32 @p1 $0x1  }
0x15: {  	[smem:$0x3FB9] =	sst s0;
	s0 =	simm.s32 @!p2 $0x0  }
0x16: {  	s3 =	sld [smem:$0x3FDB];
	s0 =	simm.s32 @p2 $0x1  }
0x17: {  	s4 =	simm.s32 $0x1BF5;
	[smem:$0x3FBB] =	sst s0  }
0x18: {  	s0 =	sld [smem:$0x3F9E];
	_ =	swait.ge [sflag:s4], $0x0  }
0x19: {  	s7 =	sld [smem:$0x3F9F]  }
0x1a: {  	s8 =	sadd.s32 $0xFFFFE003, lr  }
0x1b: {  	s9 =	sadd.s32 $0xFFFFFEF7, lr;
	s5 =	simm.s32 $0xFFFFFFFF;
	p2 =	slt.u32 s8, $0xFFFFF086  }
0x1c: {  	p1 =	slt.u32 s9, $0xF7A;
	s5 =	simm.s32 @!p2 $0x0  }
0x1d: {  	s5 =	simm.s32 @p1 $0x1;
	p0 =	seq.s32 s7, s2  }
0x1e: {  	s7 =	smul.u32 @!p0 $0xF7A, s2;
	p2 =	seq.s32 @!p0 s5, $0x0  }
0x1f: {  	s9 =	smul.u32 $0xF7A, s1;
	s8 =	simm.s32 @!p0 $0x1BF5;
	p2 =	por !p2, p0  }
0x20: {  	[sflag:s8] =	ssyncset.s32 @!p0 $0xFFFFF086;
	s6 =	sadd.s32 @!p0 s3, s7;
	s7 =	simm.s32 @!p0 $0x108  }
0x21: {  	s3 =	sadd.s32 s3, s9;
	s6 =	sadd.s32 @!p0 $0x88, s6;
	s7 =	simm.s32 @p2 $0x1082  }
0x22: {  	[simem:s7], [sflag:s8] =	dma.local @!p0 [hbm:s6], $0xF7A  }
0x23: {  	s9 =	sor.u32 $0xD0000000, s2;
	s6 =	simm.s32 $0x108;
	_ =	swait.ge @!p0 [sflag:s8], $0x0  }
0x24: {  	s3 =	sadd.s32 $0x88, s3;
	s6 =	simm.s32 @!p1 $0x1082;
	[sflag:s4] =	ssyncset.s32 $0xFFFFF086  }
0x25: {  	[simem:s6], [sflag:s4] =	dma.local [hbm:s3], $0xF7A  }
0x26: {  	[smem:$0x3F9F] =	sst s1;
	(tag) =	ssettag s2;
	_ =	strace s9  }
0x27: {  	s1 =	sld [smem:$0x3FAF]  }
0x28: {  	s2 =	sld [smem:$0x3FB0]  }
0x29: {  	s4 =	sld [smem:$0x3FB2]  }
0x2a: {  	p0 =	seq.s32 s5, $0x0;
	s5 =	sld [smem:$0x3FB3]  }
0x2b: {  	s6 =	sld [smem:$0x3FB4]  }
0x2c: {  	s7 =	sld [smem:$0x3FB5]  }
0x2d: {  	s3 =	simm.s32 $0x108;
	s8 =	sld [smem:$0x3FB6]  }
0x2e: {  	s3 =	simm.s32 @!p0 $0x1082;
	s9 =	sld [smem:$0x3FB7]  }
0x2f: {  	lr =	sadd.s32 s0, s3;
	s0 =	sld [smem:$0x3FAE]  }
0x30: {  	s3 =	sld [smem:$0x3FB1]  }
0x31: {  	[smem:$0x3FBA] =	sst s10  }
0x32: {  	s10 =	sld [smem:$0x3FB8];
	_ =	sdelay $0x3  }
0x33: {  	p0 =	seq.s32 s10, $0x1;
	s10 =	sld [smem:$0x3FBA];
	_ =	sdelay $0x3  }
0x34: {  	[smem:$0x3FBA] =	sst s10  }
0x35: {  	s10 =	sld [smem:$0x3FB9];
	_ =	sdelay $0x3  }
0x36: {  	p1 =	seq.s32 s10, $0x1;
	s10 =	sld [smem:$0x3FBA];
	_ =	sdelay $0x3  }
0x37: {  	[smem:$0x3FBA] =	sst s10  }
0x38: {  	s10 =	sld [smem:$0x3FBB]  }
0x39: {  	_ = 	snop;
	(pc) =	sbr.ind lr, $3  }
0x3a: {  	_ = 	snop  }
0x3b: {  	_ = 	snop  }
0x3c: {  	p2 =	seq.s32 s10, $0x1;
	s10 =	sld [smem:$0x3FBA]  }
0x3d: {  	_ =	shalt  }
0x3e: {  	_ =	shalt  }
0x3f: {  	_ =	shalt  }
0x40: {  	_ =	shalt  }
0x41: {  	_ =	shalt  }
0x42: {  	_ =	shalt  }
0x43: {  	_ =	shalt  }
0x44: {  	_ =	shalt  }
0x45: {  	_ =	shalt  }
0x46: {  	_ =	shalt  }
0x47: {  	_ =	shalt  }
0x48: {  	_ =	shalt  }
0x49: {  	_ =	shalt  }
0x4a: {  	_ =	shalt  }
0x4b: {  	_ =	shalt  }
0x4c: {  	_ =	shalt  }
0x4d: {  	_ =	shalt  }
0x4e: {  	_ =	shalt  }
0x4f: {  	_ =	shalt  }
0x50: {  	_ =	shalt  }
0x51: {  	_ =	shalt  }
0x52: {  	_ =	shalt  }
0x53: {  	_ =	shalt  }
0x54: {  	_ =	shalt  }
0x55: {  	_ =	shalt  }
0x56: {  	_ =	shalt  }
0x57: {  	_ =	shalt  }
0x58: {  	_ =	shalt  }
0x59: {  	_ =	shalt  }
0x5a: {  	_ =	shalt  }
0x5b: {  	_ =	shalt  }
0x5c: {  	_ =	shalt  }
0x5d: {  	_ =	shalt  }
0x5e: {  	_ =	shalt  }
0x5f: {  	_ =	shalt  }
0x60: {  	_ =	shalt  }
0x61: {  	_ =	shalt  }
0x62: {  	_ =	shalt  }
0x63: {  	_ =	shalt  }
0x64: {  	_ =	shalt  }
0x65: {  	_ =	shalt  }
0x66: {  	_ =	shalt  }
0x67: {  	_ =	shalt  }
0x68: {  	_ =	shalt  }
0x69: {  	_ =	shalt  }
0x6a: {  	_ =	shalt  }
0x6b: {  	_ =	shalt  }
0x6c: {  	_ =	shalt  }
0x6d: {  	_ =	shalt  }
0x6e: {  	_ =	shalt  }
0x6f: {  	_ =	shalt  }
0x70: {  	_ =	shalt  }
0x71: {  	_ =	shalt  }
0x72: {  	_ =	shalt  }
0x73: {  	_ =	shalt  }
0x74: {  	_ =	shalt  }
0x75: {  	_ =	shalt  }
0x76: {  	_ =	shalt  }
0x77: {  	_ =	shalt  }
0x78: {  	_ =	shalt  }
0x79: {  	_ =	shalt  }
0x7a: {  	_ =	shalt  }
0x7b: {  	_ =	shalt  }
0x7c: {  	_ =	shalt  }
0x7d: {  	_ =	shalt  }
0x7e: {  	_ =	shalt  }
0x7f: {  	_ =	shalt  }
0x80: {  	_ =	shalt  }
0x81: {  	_ =	shalt  }
0x82: {  	_ =	shalt  }
0x83: {  	_ =	shalt  }
0x84: {  	_ =	shalt  }
0x85: {  	_ =	shalt  }
0x86: {  	_ =	shalt  }
0x87: {  	_ =	shalt  }
.Lfunc_end0:
.L_simem_size_0:
called_computation_lowered:
.L_overlay_start_0:
0x88: {  	s2 =	sld [smem:$0x3FD9]  }
0x89: {  	s3 =	sld [smem:$0x3FFE];
	_ =	sdelay $0x1  }
0x8a: {  	s1 =	srdreg.scid  }
0x8b: {  	s0 =	sand.u32 $0x1, s1  }
0x8c: {  	s17 =	sshll.u32 s0, $0xA;
	s2 =	sadd.s32 s3, s2  }
0x8d: {  	s2 =	sadd.s32 s2, s17  }
0x8e: {  	[smem:$0x3FC6] =	sst s2  }
0x8f: {  	_ = 	snop  }
0x90: {  	s2 =	sld [smem:$0x3FC9]  }
0x91: {  	s18 =	sld [smem:$0x3FD0];
	(tm) =	ssettm $0x1  }
0x92: {  	s4 =	sld [smem:$0x3FFB];
	_ =	sdelay $0x3  }
0x93: {  	_ =	strace s4  }
0x94: {  	s4 =	sld [smem:$0x3FFC];
	_ =	sdelay $0x3  }
0x95: {  	_ =	strace s4  }
0x96: {  	s4 =	sld [smem:$0x3FFD];
	_ =	sdelay $0x3  }
0x97: {  	_ =	strace s4  }
0x98: {  	_ =	strace $0x8FFFFFFF  }
0x99: {  	s19 =	sld [smem:$0x3FDB];
	_ =	sdelay $0x1  }
0x9a: {  	s5 =	simm.s32 $_scs_section_size  }
0x9b: {  	s6 =	simm.s32 $_size__tile_overlayer_lowered;
	s7 =	simm.s32 $_tile_overlayer_lowered  }
0x9c: {  	s22 =	simm.s32 $0x1BFF;
	s21 =	sshll.u32 s7, $0x1;
	s4 =	sadd.s32 s5, s19  }
0x9d: {  	s8 =	simm.s32 $0x0;
	s20 =	sshll.u32 s6, $0x1;
	s6 =	sadd.s32 s21, s4  }
0x9e: {  	[timem:s8], [sflag:s22] =	dma.local [hbm:s6], s20  }
0x9f: {  	_ =	swait.ge [sflag:s22], s20  }
0xa0: {  	s5 =	ssub.s32 $0x0, s20;
	[sflag:s22] =	ssyncset.done $0x0  }
0xa1: {  	[sflag:s22] =	ssyncadd.s32 s5;
	_ =	sdelay $0x1  }
0xa2: {  	s23 =	simm.s32 $0x1B8B  }
0xa3: {  	_ =	swait.ge [sflag:s23], $0x1  }
0xa4: {  	[sflag:s23] =	ssyncset.done $0x0  }
0xa5: {  	s25 =	simm.s32 $0x1B8E;
	s24 =	sld [smem:$0x3FFE];
	[sflag:s23] =	ssyncadd.s32 $0xFFFFFFFF  }
0xa6: {  	s26 =	simm.s32 $execute0_lowered;
	[smem:$0x3FD2] =	sst s25  }
0xa7: {  	s6 =	sshll.u32 s26, $0x1;
	_ =	strace $0x80000046;
	[dreg:$0x1] =	wrdreg $0xFFFFFFFF  }
0xa8: {  	s28 =	simm.s32 $_size_execute0_lowered;
	s4 =	sadd.s32 s4, s6;
	[dreg:$0x0] =	wrdreg $0x0  }
0xa9: {  	s6 =	sshll.u32 s28, $0x1;
	[dreg:$0x2] =	wrdreg s4  }
0xaa: {  	[dreg:$0x3] =	wrdreg s6  }
0xab: {  	[dreg:$0x4] =	wrdreg $0xC0  }
0xac: {  	_ =	task [dreg:s8], $0x5FFFF  }
0xad: {  	[dreg:$0x1] =	wrdreg $0xFFFFFFFF  }
0xae: {  	[dreg:$0x0] =	wrdreg $0x60  }
0xaf: {  	[dreg:$0x2] =	wrdreg s24  }
0xb0: {  	[dreg:$0x3] =	wrdreg s2  }
0xb1: {  	[dreg:$0x4] =	wrdreg s18  }
0xb2: {  	[dreg:$0x5] =	wrdreg $0x9  }
0xb3: {  	_ =	task.clear_ibuf [dreg:s8], $0x6FFFF;
	_ =	strace $0x90000046  }
0xb4: {  	s29 =	simm.s32 $0x9;
	_ =	strace $0x80000048  }
0xb5: {  	_ =	swait.ge [sflag:s29], $0x1  }
0xb6: {  	[sflag:s29] =	ssyncadd.s32 $0xFFFFFFFF  }
0xb7: {  	_ =	strace $0x90000048  }
0xb8: {  	_ =	sfence  }
0xb9: {  	s30 =	sld [smem:$0x0];
	_ =	sdelay $0x2  }
0xba: {  	s31 =	sshll.u32 s1, $0xD;
	s1 =	sshrl.u32 s1, $0x2  }
0xbb: {  	s3 =	sand.u32 $0x4000, s31;
	s1 =	sadd.s32 s1, s30  }
0xbc: {  	s0 =	sor.u32 s3, s0;
	s1 =	sshll.u32 s1, $0x11  }
0xbd: {  	s0 =	sor.u32 s1, s0  }
0xbe: {  	s0 =	sadd.s32 $0x8F2B, s0  }
0xbf: {  	[sflag:s0] =	ssyncadd.remote.s32 $0x1  }
0xc0: {  	_ =	sfence.sel $0xFFFF  }
0xc1: {  	[dreg:$0x0] =	wrdreg $0xFFFFFFFF;
	(pc) =	sbr.abs _section_cstart, $3  }
0xc2: {  	[dreg:$0x1] =	wrdreg $0xFFFFFFFF  }
0xc3: {  	_ =	task.clear_ibuf [dreg:s8], $0x2FFFF;
	_ =	strace $0x9FFFFFFF  }
0xc4: {  	(tm) =	ssettm $0x7FFFFFFF  }
0xc5: {  	_ =	shalt  }
tec
execute0_lowered:
.L_overlay_start_1:
0x0: {  	(tag) =	ssettag $0x1  }
0x1: {  	s0 =	rddreg [dreg:$0x0]  }
0x2: {  	s2 =	rddreg [dreg:$0x1]  }
0x3: {  	s7 =	rddreg [dreg:$0x2]  }
0x4: {  	s1 =	simm.s32 $0x0;
	s3 =	srdreg.scid;
	s11 =	stileid.u32  }
0x5: {  	s14 =	simm.s32 $0x8A00;
	s15 =	simm.s32 $0x9200;
	s16 =	simm.s32 $0x9A00  }
0x6: {  	s17 =	simm.s32 $0xA200;
	s18 =	simm.s32 $0xAA00;
	s19 =	simm.s32 $0xB200  }
0x7: {  	s20 =	simm.s32 $0xBA00;
	s21 =	simm.s32 $0xC200;
	s22 =	simm.s32 $0xCA00  }
0x8: {  	s23 =	simm.s32 $0xD200;
	s24 =	simm.s32 $0xDA00;
	[smem:$0x7FF] =	sst s1  }
0x9: {  	s28 =	simm.s32 $0x8200;
	_ =	strace $0x80000047;
	[dreg:$0x5] =	wrdreg s14  }
0xa: {  	s29 =	simm.s32 $0xF200;
	s30 =	simm.s32 $0xFA00;
	[dreg:$0x6] =	wrdreg s15  }
0xb: {  	s31 =	simm.s32 $0x1;
	s8 =	sand.u32 $0x1, s3;
	[dreg:$0x7] =	wrdreg s16  }
0xc: {  	s3 =	sadd.s32 $0x800, s0;
	s5 =	sshll.u32 s11, $0x9;
	[dreg:$0x8] =	wrdreg s17  }
0xd: {  	s9 =	sshll.u32 s11, $0x2;
	s11 =	sshll.u32 s11, $0x11;
	[dreg:$0x9] =	wrdreg s18  }
0xe: {  	s4 =	ssub.s32 $0x2, s8;
	s6 =	sshll.u32 s8, $0x8;
	[dreg:$0xa] =	wrdreg s19  }
0xf: {  	s25 =	sand.u32 $0x30, s9;
	s12 =	sshll.u32 s8, $0x10;
	[dreg:$0xb] =	wrdreg s20  }
0x10: {  	s16 =	simm.s32 $0x2A00;
	s17 =	simm.s32 $0x3200;
	[dreg:$0xc] =	wrdreg s21  }
0x11: {  	s18 =	simm.s32 $0x3A00;
	s19 =	simm.s32 $0x4200;
	[dreg:$0xd] =	wrdreg s22  }
0x12: {  	s20 =	simm.s32 $0x4A00;
	s21 =	simm.s32 $0x5200;
	[dreg:$0xe] =	wrdreg s23  }
0x13: {  	s22 =	simm.s32 $0x5A00;
	s23 =	simm.s32 $0x6200;
	[dreg:$0xf] =	wrdreg s24  }
0x14: {  	s24 =	simm.s32 $0x6A00;
	s10 =	sshrl.u32 s4, $0x1;
	s5 =	sor.u32 s6, s5  }
0x15: {  	s2 =	sadd.s32 s2, s25;
	s6 =	sadd.s32 $0xA00, s0;
	s25 =	simm.s32 $0xE200  }
0x16: {  	s26 =	ssub.s32 s4, s10;
	s10 =	sand.u32 $0x700, s5;
	s5 =	sadd.s32 $0x900, s0  }
0x17: {  	[dreg:$0x10] =	wrdreg s25;
	s25 =	simm.s32 $0x7200;
	s4 =	sadd.s32 s10, s2  }
0x18: {  	s2 =	sadd.s32 s11, s7;
	s7 =	sadd.s32 $0xB00, s0;
	s8 =	smax.u32 s26, $0x1  }
0x19: {  	v2 =	vlaneseq.u32;
	s10 =	simm.s32 $0x200;
	s11 =	simm.s32 $0x3;
	s26 =	simm.s32 $0xEA00  }
0x1a: {  	vm0 =	vmmov $0xffff;
	v1 =	vshrl.u32 v2, $0x3;
	s0 =	simm.s32 $0x2;
	s13 =	sadd.s32 s12, s2;
	[dreg:$0x11] =	wrdreg s26  }
0x1b: {  	v0 =	vand.u32 $0x7, v2;
	v2 =	vor.u32 $0x8, v2;
	v1 =	vmul.u32 $0x8, v1;
	s26 =	simm.s32 $0x7A00;
	s2 =	simm.s32 $0x0;
	[dreg:$0x4] =	wrdreg s13  }
.LBB2_1:
0x1c: {  	s9 =	simm.s32 $0x80  }
0x1d: {  	[tilespmem:s1], [sflag:$0x3] =	stream.strided.gather [hbm4b:s4+s9], $0x200, s10, s9, $0x38;
	[tilespmem:$0x10200] =	vst v63  }
0x1e: {  	_ =	swait.ge [sflag:s11], $0x200  }
0x1f: {  	[sflag:s11] =	ssyncset.done $0x0  }
0x20: {  	[sflag:s11] =	ssyncadd.s32 $0xFFFFFE00  }
0x21: {  	v3 =	vld [tilespmem:$0x0];
	_ =	sdelay $0x4  }
0x22: {  	v4 =	vshll.u32 v3, $0x3  }
0x23: {  	v3 =	vand.u32 $0x7, v3;
	v4 =	vand.u32 $0xFFFFFFC0, v4  }
0x24: {  	v3 =	vor.u32 v3, v4  }
0x25: {  	v4 =	vperm.xlane v3, v0;
	_ =	sdelay $0x1  }
0x26: {  	v4 =	vadd.s32 v1, v4;
	_ =	sdelay $0x4  }
0x27: {  	[tilespmem:s10], [sflag:$0x1] =	stream.indirect_vreg.gather [hbm4b:s3+s1], $0x80, v4, vm0, $0xb8;
	[tilespmem:$0x10200] =	vst v63  }
0x28: {  	s12 =	simm.s32 $0xA00;
	v3 =	vperm.xlane v3, v2  }
0x29: {  	[tilespmem:s12], [sflag:$0x1] =	stream.indirect_vreg.gather [hbm4b:s5+s1], $0x80, v4, vm0, $0xb8;
	[tilespmem:$0x10200] =	vst v63  }
0x2a: {  	s13 =	simm.s32 $0x1200;
	v3 =	vadd.s32 v1, v3  }
0x2b: {  	[tilespmem:s13], [sflag:$0x1] =	stream.indirect_vreg.gather [hbm4b:s6+s1], $0x80, v4, vm0, $0xb8;
	[tilespmem:$0x10200] =	vst v63  }
0x2c: {  	s14 =	simm.s32 $0x1A00  }
0x2d: {  	[tilespmem:s14], [sflag:$0x1] =	stream.indirect_vreg.gather [hbm4b:s7+s1], $0x80, v4, vm0, $0xb8;
	[tilespmem:$0x10200] =	vst v63  }
0x2e: {  	s15 =	simm.s32 $0x2200  }
0x2f: {  	[tilespmem:s15], [sflag:$0x1] =	stream.indirect_vreg.gather [hbm4b:s3+s1], $0x80, v3, vm0, $0xb8;
	[tilespmem:$0x10200] =	vst v63  }
0x30: {  	_ = 	snop  }
0x31: {  	[tilespmem:s16], [sflag:$0x1] =	stream.indirect_vreg.gather [hbm4b:s5+s1], $0x80, v3, vm0, $0xb8;
	[tilespmem:$0x10200] =	vst v63  }
0x32: {  	_ = 	snop  }
0x33: {  	[tilespmem:s17], [sflag:$0x1] =	stream.indirect_vreg.gather [hbm4b:s6+s1], $0x80, v3, vm0, $0xb8;
	[tilespmem:$0x10200] =	vst v63  }
0x34: {  	_ = 	snop  }
0x35: {  	[tilespmem:s18], [sflag:$0x1] =	stream.indirect_vreg.gather [hbm4b:s7+s1], $0x80, v3, vm0, $0xb8;
	[tilespmem:$0x10200] =	vst v63  }
0x36: {  	v3 =	vld [tilespmem:$0x10];
	_ =	sdelay $0x4  }
0x37: {  	v63 =	vshll.u32 v3, $0x3  }
0x38: {  	v3 =	vand.u32 $0x7, v3;
	v4 =	vand.u32 $0xFFFFFFC0, v63  }
0x39: {  	v3 =	vor.u32 v3, v4  }
0x3a: {  	v4 =	vperm.xlane v3, v0;
	_ =	sdelay $0x1  }
0x3b: {  	v4 =	vadd.s32 v1, v4;
	_ =	sdelay $0x4  }
0x3c: {  	[tilespmem:s19], [sflag:$0x1] =	stream.indirect_vreg.gather [hbm4b:s3+s1], $0x80, v4, vm0, $0xb8;
	[tilespmem:$0x10200] =	vst v63  }
0x3d: {  	v3 =	vperm.xlane v3, v2  }
0x3e: {  	[tilespmem:s20], [sflag:$0x1] =	stream.indirect_vreg.gather [hbm4b:s5+s1], $0x80, v4, vm0, $0xb8;
	[tilespmem:$0x10200] =	vst v63  }
0x3f: {  	v3 =	vadd.s32 v1, v3  }
0x40: {  	[tilespmem:s21], [sflag:$0x1] =	stream.indirect_vreg.gather [hbm4b:s6+s1], $0x80, v4, vm0, $0xb8;
	[tilespmem:$0x10200] =	vst v63  }
0x41: {  	_ = 	snop  }
0x42: {  	[tilespmem:s22], [sflag:$0x1] =	stream.indirect_vreg.gather [hbm4b:s7+s1], $0x80, v4, vm0, $0xb8;
	[tilespmem:$0x10200] =	vst v63  }
0x43: {  	_ = 	snop  }
0x44: {  	[tilespmem:s23], [sflag:$0x1] =	stream.indirect_vreg.gather [hbm4b:s3+s1], $0x80, v3, vm0, $0xb8;
	[tilespmem:$0x10200] =	vst v63  }
0x45: {  	_ = 	snop  }
0x46: {  	[tilespmem:s24], [sflag:$0x1] =	stream.indirect_vreg.gather [hbm4b:s5+s1], $0x80, v3, vm0, $0xb8;
	[tilespmem:$0x10200] =	vst v63  }
0x47: {  	_ = 	snop  }
0x48: {  	[tilespmem:s25], [sflag:$0x1] =	stream.indirect_vreg.gather [hbm4b:s6+s1], $0x80, v3, vm0, $0xb8;
	[tilespmem:$0x10200] =	vst v63  }
0x49: {  	s9 =	simm.s32 $0x30;
	s12 =	simm.s32 $0x0  }
0x4a: {  	[tilespmem:s26], [sflag:$0x1] =	stream.indirect_vreg.gather [hbm4b:s7+s1], $0x80, v3, vm0, $0xb8;
	[tilespmem:$0x10200] =	vst v63  }
.LBB2_2:
0x4b: {  	v3 =	vld [tilespmem:s9+$0xFFFFFFF0];
	_ =	sdelay $0x4  }
0x4c: {  	v4 =	vshll.u32 v3, $0x3  }
0x4d: {  	v3 =	vand.u32 $0x7, v3;
	v4 =	vand.u32 $0xFFFFFFC0, v4  }
0x4e: {  	v3 =	vor.u32 v3, v4  }
0x4f: {  	v4 =	vperm.xlane v3, v0;
	_ =	sdelay $0x1  }
0x50: {  	v4 =	vadd.s32 v1, v4;
	_ =	sdelay $0x4  }
0x51: {  	[tilespmem:s28], [sflag:$0x2] =	stream.indirect_vreg.gather [hbm4b:s3+s1], $0x80, v4, vm0, $0xb8;
	[tilespmem:$0x10200] =	vst v63  }
0x52: {  	s13 =	rddreg [dreg:$0x5];
	v3 =	vperm.xlane v3, v2  }
0x53: {  	[tilespmem:s13], [sflag:$0x2] =	stream.indirect_vreg.gather [hbm4b:s5+s1], $0x80, v4, vm0, $0xb8;
	[tilespmem:$0x10200] =	vst v63  }
0x54: {  	s14 =	rddreg [dreg:$0x6];
	v3 =	vadd.s32 v1, v3  }
0x55: {  	[tilespmem:s14], [sflag:$0x2] =	stream.indirect_vreg.gather [hbm4b:s6+s1], $0x80, v4, vm0, $0xb8;
	[tilespmem:$0x10200] =	vst v63  }
0x56: {  	s15 =	rddreg [dreg:$0x7]  }
0x57: {  	[tilespmem:s15], [sflag:$0x2] =	stream.indirect_vreg.gather [hbm4b:s7+s1], $0x80, v4, vm0, $0xb8;
	[tilespmem:$0x10200] =	vst v63  }
0x58: {  	s14 =	rddreg [dreg:$0x8]  }
0x59: {  	[tilespmem:s14], [sflag:$0x2] =	stream.indirect_vreg.gather [hbm4b:s3+s1], $0x80, v3, vm0, $0xb8;
	[tilespmem:$0x10200] =	vst v63  }
0x5a: {  	s15 =	rddreg [dreg:$0x9]  }
0x5b: {  	[tilespmem:s15], [sflag:$0x2] =	stream.indirect_vreg.gather [hbm4b:s5+s1], $0x80, v3, vm0, $0xb8;
	[tilespmem:$0x10200] =	vst v63  }
0x5c: {  	s14 =	rddreg [dreg:$0xa]  }
0x5d: {  	[tilespmem:s14], [sflag:$0x2] =	stream.indirect_vreg.gather [hbm4b:s6+s1], $0x80, v3, vm0, $0xb8;
	[tilespmem:$0x10200] =	vst v63  }
0x5e: {  	s15 =	rddreg [dreg:$0xb]  }
0x5f: {  	[tilespmem:s15], [sflag:$0x2] =	stream.indirect_vreg.gather [hbm4b:s7+s1], $0x80, v3, vm0, $0xb8;
	[tilespmem:$0x10200] =	vst v63  }
0x60: {  	v3 =	vld [tilespmem:s9+$0x0];
	_ =	sdelay $0x4  }
0x61: {  	v63 =	vshll.u32 v3, $0x3  }
0x62: {  	v3 =	vand.u32 $0x7, v3;
	v4 =	vand.u32 $0xFFFFFFC0, v63  }
0x63: {  	v3 =	vor.u32 v3, v4  }
0x64: {  	v4 =	vperm.xlane v3, v0;
	_ =	sdelay $0x1  }
0x65: {  	v4 =	vadd.s32 v1, v4;
	_ =	sdelay $0x3  }
0x66: {  	s14 =	rddreg [dreg:$0xc]  }
0x67: {  	[tilespmem:s14], [sflag:$0x2] =	stream.indirect_vreg.gather [hbm4b:s3+s1], $0x80, v4, vm0, $0xb8;
	[tilespmem:$0x10200] =	vst v63  }
0x68: {  	s15 =	rddreg [dreg:$0xd];
	v3 =	vperm.xlane v3, v2  }
0x69: {  	[tilespmem:s15], [sflag:$0x2] =	stream.indirect_vreg.gather [hbm4b:s5+s1], $0x80, v4, vm0, $0xb8;
	[tilespmem:$0x10200] =	vst v63  }
0x6a: {  	s13 =	rddreg [dreg:$0xe];
	v3 =	vadd.s32 v1, v3  }
0x6b: {  	[tilespmem:s13], [sflag:$0x2] =	stream.indirect_vreg.gather [hbm4b:s6+s1], $0x80, v4, vm0, $0xb8;
	[tilespmem:$0x10200] =	vst v63  }
0x6c: {  	s15 =	rddreg [dreg:$0xf]  }
0x6d: {  	[tilespmem:s15], [sflag:$0x2] =	stream.indirect_vreg.gather [hbm4b:s7+s1], $0x80, v4, vm0, $0xb8;
	[tilespmem:$0x10200] =	vst v63  }
0x6e: {  	s13 =	rddreg [dreg:$0x10]  }
0x6f: {  	[tilespmem:s13], [sflag:$0x2] =	stream.indirect_vreg.gather [hbm4b:s3+s1], $0x80, v3, vm0, $0xb8;
	[tilespmem:$0x10200] =	vst v63  }
0x70: {  	s15 =	rddreg [dreg:$0x11]  }
0x71: {  	[tilespmem:s15], [sflag:$0x2] =	stream.indirect_vreg.gather [hbm4b:s5+s1], $0x80, v3, vm0, $0xb8;
	[tilespmem:$0x10200] =	vst v63  }
0x72: {  	_ = 	snop  }
0x73: {  	[tilespmem:s29], [sflag:$0x2] =	stream.indirect_vreg.gather [hbm4b:s6+s1], $0x80, v3, vm0, $0xb8;
	[tilespmem:$0x10200] =	vst v63  }
0x74: {  	_ = 	snop  }
0x75: {  	[tilespmem:s30], [sflag:$0x2] =	stream.indirect_vreg.gather [hbm4b:s7+s1], $0x80, v3, vm0, $0xb8;
	[tilespmem:$0x10200] =	vst v63  }
0x76: {  	_ =	swait.ge [sflag:s31], $0x8000  }
0x77: {  	s15 =	rddreg [dreg:$0x4];
	[sflag:s31] =	ssyncset.done $0x0  }
0x78: {  	[sflag:s31] =	ssyncadd.s32 $0xFFFF8000;
	s13 =	sadd.s32 s12, s15  }
0x79: {  	[hbm4b:s13+s1] =	stream.linear.scatter [tilespmem:s10], [sflag:$0x3], $0x8000, $0x38;
	[tilespmem:$0x10200] =	vst v63  }
0x7a: {  	_ =	swait.ge [sflag:s11], $0x8000  }
0x7b: {  	[sflag:s11] =	ssyncset.done $0x0  }
0x7c: {  	p0 =	seq.s32 s12, $0xE000;
	[sflag:s11] =	ssyncadd.s32 $0xFFFF8000  }
0x7d: {  	v3 =	vld @!p0 [tilespmem:s9+$0x10];
	_ =	sdelay $0x4  }
0x7e: {  	v4 =	vshll.u32 @!p0 v3, $0x3  }
0x7f: {  	v5 =	vlaneseq.u32 @!p0;
	v3 =	vand.u32 @!p0 $0x7, v3;
	v4 =	vand.u32 @!p0 $0xFFFFFFC0, v4  }
0x80: {  	v6 =	vshrl.u32 @!p0 v5, $0x3;
	v3 =	vor.u32 @!p0 v3, v4;
	v4 =	vand.u32 @!p0 $0x7, v5  }
0x81: {  	v6 =	vmul.u32 @!p0 $0x8, v6;
	v7 =	vperm.xlane @!p0 v3, v4;
	_ =	sdelay $0x1  }
0x82: {  	v7 =	vadd.s32 @!p0 v6, v7;
	_ =	sdelay $0x3  }
0x83: {  	vm1 =	vmmov @!p0 $0xffff;
	s14 =	simm.s32 @!p0 $0x0;
	s15 =	simm.s32 @!p0 $0x200  }
0x84: {  	v5 =	vor.u32 @!p0 $0x8, v5;
	[tilespmem:s15], [sflag:$0x1] =	stream.indirect_vreg.gather @!p0 [hbm4b:s3+s14], $0x80, v7, vm1, $0xb8;
	[tilespmem:$0x10200] =	vst v63  }
0x85: {  	v3 =	vperm.xlane @!p0 v3, v5;
	s15 =	simm.s32 @!p0 $0xA00  }
0x86: {  	[tilespmem:s15], [sflag:$0x1] =	stream.indirect_vreg.gather @!p0 [hbm4b:s5+s14], $0x80, v7, vm1, $0xb8;
	[tilespmem:$0x10200] =	vst v63  }
0x87: {  	v3 =	vadd.s32 @!p0 v6, v3;
	s15 =	simm.s32 @!p0 $0x1200  }
0x88: {  	[tilespmem:s15], [sflag:$0x1] =	stream.indirect_vreg.gather @!p0 [hbm4b:s6+s14], $0x80, v7, vm1, $0xb8;
	[tilespmem:$0x10200] =	vst v63  }
0x89: {  	s15 =	simm.s32 @!p0 $0x1A00  }
0x8a: {  	[tilespmem:s15], [sflag:$0x1] =	stream.indirect_vreg.gather @!p0 [hbm4b:s7+s14], $0x80, v7, vm1, $0xb8;
	[tilespmem:$0x10200] =	vst v63  }
0x8b: {  	s15 =	simm.s32 @!p0 $0x2200  }
0x8c: {  	[tilespmem:s15], [sflag:$0x1] =	stream.indirect_vreg.gather @!p0 [hbm4b:s3+s14], $0x80, v3, vm1, $0xb8;
	[tilespmem:$0x10200] =	vst v63  }
0x8d: {  	s15 =	simm.s32 @!p0 $0x2A00  }
0x8e: {  	[tilespmem:s15], [sflag:$0x1] =	stream.indirect_vreg.gather @!p0 [hbm4b:s5+s14], $0x80, v3, vm1, $0xb8;
	[tilespmem:$0x10200] =	vst v63  }
0x8f: {  	s15 =	simm.s32 @!p0 $0x3200  }
0x90: {  	[tilespmem:s15], [sflag:$0x1] =	stream.indirect_vreg.gather @!p0 [hbm4b:s6+s14], $0x80, v3, vm1, $0xb8;
	[tilespmem:$0x10200] =	vst v63  }
0x91: {  	s15 =	simm.s32 @!p0 $0x3A00  }
0x92: {  	[tilespmem:s15], [sflag:$0x1] =	stream.indirect_vreg.gather @!p0 [hbm4b:s7+s14], $0x80, v3, vm1, $0xb8;
	[tilespmem:$0x10200] =	vst v63  }
0x93: {  	v3 =	vld @!p0 [tilespmem:s9+$0x20];
	_ =	sdelay $0x4  }
0x94: {  	v7 =	vshll.u32 @!p0 v3, $0x3  }
0x95: {  	v3 =	vand.u32 @!p0 $0x7, v3;
	v7 =	vand.u32 @!p0 $0xFFFFFFC0, v7  }
0x96: {  	v3 =	vor.u32 @!p0 v3, v7  }
0x97: {  	v4 =	vperm.xlane @!p0 v3, v4;
	_ =	sdelay $0x1  }
0x98: {  	v4 =	vadd.s32 @!p0 v6, v4;
	_ =	sdelay $0x3  }
0x99: {  	s15 =	simm.s32 @!p0 $0x4200  }
0x9a: {  	[tilespmem:s15], [sflag:$0x1] =	stream.indirect_vreg.gather @!p0 [hbm4b:s3+s14], $0x80, v4, vm1, $0xb8;
	[tilespmem:$0x10200] =	vst v63  }
0x9b: {  	v3 =	vperm.xlane @!p0 v3, v5;
	s15 =	simm.s32 @!p0 $0x4A00  }
0x9c: {  	[tilespmem:s15], [sflag:$0x1] =	stream.indirect_vreg.gather @!p0 [hbm4b:s5+s14], $0x80, v4, vm1, $0xb8;
	[tilespmem:$0x10200] =	vst v63  }
0x9d: {  	v3 =	vadd.s32 @!p0 v6, v3;
	s15 =	simm.s32 @!p0 $0x5200  }
0x9e: {  	[tilespmem:s15], [sflag:$0x1] =	stream.indirect_vreg.gather @!p0 [hbm4b:s6+s14], $0x80, v4, vm1, $0xb8;
	[tilespmem:$0x10200] =	vst v63  }
0x9f: {  	s15 =	simm.s32 @!p0 $0x5A00  }
0xa0: {  	[tilespmem:s15], [sflag:$0x1] =	stream.indirect_vreg.gather @!p0 [hbm4b:s7+s14], $0x80, v4, vm1, $0xb8;
	[tilespmem:$0x10200] =	vst v63  }
0xa1: {  	s15 =	simm.s32 @!p0 $0x6200  }
0xa2: {  	[tilespmem:s15], [sflag:$0x1] =	stream.indirect_vreg.gather @!p0 [hbm4b:s3+s14], $0x80, v3, vm1, $0xb8;
	[tilespmem:$0x10200] =	vst v63  }
0xa3: {  	s15 =	simm.s32 @!p0 $0x6A00  }
0xa4: {  	[tilespmem:s15], [sflag:$0x1] =	stream.indirect_vreg.gather @!p0 [hbm4b:s5+s14], $0x80, v3, vm1, $0xb8;
	[tilespmem:$0x10200] =	vst v63  }
0xa5: {  	s15 =	simm.s32 @!p0 $0x7200  }
0xa6: {  	[tilespmem:s15], [sflag:$0x1] =	stream.indirect_vreg.gather @!p0 [hbm4b:s6+s14], $0x80, v3, vm1, $0xb8;
	[tilespmem:$0x10200] =	vst v63  }
0xa7: {  	s15 =	simm.s32 @!p0 $0x7A00  }
0xa8: {  	[tilespmem:s15], [sflag:$0x1] =	stream.indirect_vreg.gather @!p0 [hbm4b:s7+s14], $0x80, v3, vm1, $0xb8;
	[tilespmem:$0x10200] =	vst v63  }
0xa9: {  	s12 =	sadd.s32 $0x2000, s12;
	_ =	swait.ge [sflag:s0], $0x8000  }
0xaa: {  	p0 =	sne.s32 s12, $0x10000;
	[sflag:s0] =	ssyncset.done $0x0  }
.Ltmp0:
0xab: {  	s13 =	sadd.s32 $0x1000, s13;
	[sflag:s0] =	ssyncadd.s32 $0xFFFF8000;
	(pc) =	sbr.rel @p0 .LBB2_2-.Ltmp0, $4  }
0xac: {  	[hbm4b:s13+s1] =	stream.linear.scatter [tilespmem:s28], [sflag:$0x3], $0x8000, $0x38;
	[tilespmem:$0x10200] =	vst v63  }
0xad: {  	_ =	swait.ge [sflag:s11], $0x8000  }
0xae: {  	[sflag:s11] =	ssyncset.done $0x0  }
0xaf: {  	s9 =	sadd.s32 $0x40, s9;
	[sflag:s11] =	ssyncadd.s32 $0xFFFF8000  }
0xb0: {  	s2 =	sadd.s32 $0x1, s2  }
0xb1: {  	p0 =	sne.s32 s2, s8  }
.Ltmp1:
0xb2: {  	_ = 	snop;
	(pc) =	sbr.rel @p0 .LBB2_1-.Ltmp1, $1  }
0xb3: {  	_ =	sdelay $0x3  }
0xb4: {  	_ =	sfence.sel $0x180000  }
0xb5: {  	[bflag:$0x0] =	sbarrier.arrive $0xFFFF  }
0xb6: {  	_ =	strace $0x90000047  }
0xb7: {  	s0 =	stileid.u32;
	[bflag:$0x2] =	sbarrier.arrive $0xFFFF  }
0xb8: {  	p0 =	sne.s32 s0, $0x0;
	s0 =	rddreg [dreg:$0x3]  }
0xb9: {  	s0 =	sadd.s32 @!p0 $0x100000, s0  }
0xba: {  	[sflag:s0] =	ssyncadd.tile.s32 @!p0 $0x1;
	_ =	shalt  }
.Lfunc_end2:
_tile_overlayer_lowered:
.L_overlay_start_2:
0xbb: {  	(tag) =	ssettag $0x2  }
0xbc: {  	s0 =	rddreg [dreg:$0x0];
	s2 =	stileid.u32  }
0xbd: {  	s1 =	rddreg [dreg:$0x1];
	p0 =	sne.s32 s2, $0x0  }
0xbe: {  	s3 =	rddreg [dreg:$0x2];
	[bflag:$0x3] =	sbarrier.arrive $0xFFFF;
	s2 =	simm.s32 @!p0 $0x1C03  }
0xbf: {  	[timem:s3], [sflag:s2] =	dma.local @!p0 [hbm:s0], s1  }
0xc0: {  	s0 =	simm.s32 @!p0 $0x3  }
0xc1: {  	_ =	swait.ge @!p0 [sflag:s0], s1  }
0xc2: {  	s1 =	ssub.s32 @!p0 $0x0, s1;
	[sflag:s0] =	ssyncset.done @!p0 $0x0  }
0xc3: {  	[sflag:s0] =	ssyncadd.s32 @!p0 s1  }
0xc4: {  	[bflag:$0x3] =	sbarrier.arrive $0xFFFF  }
0xc5: {  	_ =	shalt  }

</sc_bundles>
